<compile_context>
chip_gen: v7x
topology: tpu7x:2x2x1
jax: 0.10.2.dev20260603
libtpu: 0.0.44.dev20260713+nightly
codegen_flags: <defaults>
</compile_context>

<pallas_src>
import jax
import jax.numpy as jnp
from jax import lax
from jax.experimental import pallas as pl
from jax.experimental.pallas import tpu as pltpu
from jax.experimental.pallas import tpu_sc as plsc

B = 1024
T = 200
V = 1000
D = 128

NC = 2
NS = 16
NW = NC * NS

N_ROWS = B * T
RPW = N_ROWS // NW
CHUNK = 128
NCHUNK = RPW // CHUNK


def _body(tab_hbm, idx_hbm, out_hbm, tab_s, idx_v, rows_v,
          gsem0, gsem1, ssem0, ssem1):
    cid = lax.axis_index("c")
    sid = lax.axis_index("s")
    wid = sid * NC + cid
    row0 = pl.multiple_of(wid * RPW, CHUNK)

    @pl.when(sid == 0)
    def _stage_table():
        pltpu.sync_copy(tab_hbm, tab_s)

    pltpu.sync_copy(idx_hbm.at[wid], idx_v)
    plsc.subcore_barrier()

    gsems = (gsem0, gsem1)
    ssems = (ssem0, ssem1)

    def pair_body(i, carry):
        for k in range(2):
            c = i * 2 + k
            @pl.when(i > 0)
            def _wait():
                pltpu.make_async_copy(
                    rows_v.at[k], out_hbm.at[pl.ds(0, 2 * CHUNK)], ssems[k]
                ).wait()

            pltpu.async_copy(
                tab_s.at[idx_v.at[2 * c]], rows_v.at[k, pl.ds(0, CHUNK)],
                gsems[k],
            )
            pltpu.async_copy(
                tab_s.at[idx_v.at[2 * c + 1]], rows_v.at[k, pl.ds(CHUNK, CHUNK)],
                gsems[k],
            ).wait(), pltpu.make_async_copy(
                tab_s.at[idx_v.at[2 * c]], rows_v.at[k, pl.ds(0, CHUNK)],
                gsems[k],
            ).wait()
            pltpu.async_copy(
                rows_v.at[k],
                out_hbm.at[
                    pl.ds(pl.multiple_of(row0 + 2 * c * CHUNK, CHUNK), 2 * CHUNK)
                ],
                ssems[k],
            )
        return carry

    lax.fori_loop(0, NCHUNK // 4, pair_body, 0, unroll=False)

    for k in range(2):
        pltpu.make_async_copy(
            rows_v.at[k], out_hbm.at[pl.ds(0, 2 * CHUNK)], ssems[k]
        ).wait()


@jax.jit
def _lookup(tab, idx3d):
    mesh = plsc.VectorSubcoreMesh(
        core_axis_name="c", subcore_axis_name="s", num_cores=NC, num_subcores=NS
    )
    return pl.kernel(
        _body,
        out_type=jax.ShapeDtypeStruct((N_ROWS, D), jnp.float32),
        mesh=mesh,
        compiler_params=pltpu.CompilerParams(needs_layout_passes=False),
        scratch_types=[
            pltpu.VMEM_SHARED((V, D), jnp.float32),
            pltpu.VMEM((NCHUNK, CHUNK), jnp.int32),
            pltpu.VMEM((2, 2 * CHUNK, D), jnp.float32),
            pltpu.SemaphoreType.DMA,
            pltpu.SemaphoreType.DMA,
            pltpu.SemaphoreType.DMA,
            pltpu.SemaphoreType.DMA,
        ],
    )(tab, idx3d)


def kernel(inputs, emb_weight):
    idx3d = inputs.astype(jnp.int32).reshape(NW, NCHUNK, CHUNK)
    rows = _lookup(emb_weight, idx3d)
    return jnp.transpose(rows.reshape(B, T, D), (0, 2, 1))

# --- scband reference (transcript-rebuilt; emitter-appended) ---
"""Pipeline reference for scband-wave-style-net-31147102830872 (READ-ONLY COPY).

The authoritative reference and input builder live on the scoring server;
editing this copy changes nothing except your own understanding.
"""

import jax, jax.numpy as jnp
import numpy as np

NUM_EMBEDDINGS = 1000
EMBEDDING_DIM = 128
BATCH = 1024
TIME = 200


def setup_inputs(seed: int = 0) -> dict:
    key = jax.random.key(seed)
    k_idx, k_w = jax.random.split(key)
    inputs = jax.random.randint(k_idx, (BATCH, TIME), 0, NUM_EMBEDDINGS, dtype=jnp.int64 if jax.config.jax_enable_x64 else jnp.int32)
    emb_weight = jax.random.normal(k_w, (NUM_EMBEDDINGS, EMBEDDING_DIM), dtype=jnp.float32)
    return {"inputs": inputs, "emb_weight": emb_weight}


def reference(inputs, emb_weight):
    # Embedding lookup: (B, T) -> (B, T, D)
    x = jnp.take(emb_weight, inputs, axis=0)
    # transpose(1, 2): (B, T, D) -> (B, D, T)
    x = jnp.transpose(x, (0, 2, 1))
    return x

if __name__ == "__main__":
    import jax
    _d = setup_inputs()
    print(jax.jit(kernel)(*tuple(_d.values())))

</pallas_src>

<mosaic_0001>
#map = affine_map<(d0, d1) -> (0, 0)>
#map1 = affine_map<(d0, d1) -> (0, 0, 0)>
module attributes {stable_mosaic.version = 14 : i64} {
  func.func @_body(%arg0: i32, %arg1: i32, %arg2: memref<1000x128xf32, #tpu.memory_space<hbm>>, %arg3: memref<32x50x128xi32, #tpu.memory_space<hbm>>, %arg4: memref<204800x128xf32, #tpu.memory_space<hbm>>, %arg5: memref<1000x128xf32, #tpu.memory_space<vmem_shared>>, %arg6: memref<50x128xi32, #tpu.memory_space<vmem>>, %arg7: memref<2x256x128xf32, #tpu.memory_space<vmem>>, %arg8: memref<!tpu.dma_semaphore, #tpu.memory_space<semaphore_mem>>, %arg9: memref<!tpu.dma_semaphore, #tpu.memory_space<semaphore_mem>>, %arg10: memref<!tpu.dma_semaphore, #tpu.memory_space<semaphore_mem>>, %arg11: memref<!tpu.dma_semaphore, #tpu.memory_space<semaphore_mem>>) attributes {dimension_semantics = [#tpu.dimension_semantics<core_parallel>, #tpu.dimension_semantics<subcore_parallel>], iteration_bounds = array<i64: 2, 16>, scalar_prefetch = 0 : i64, scratch_operands = 7 : i64, tpu.core_type = #tpu.core_type<sc_vector_subcore>, window_params = [{transform_indices = #map}, {transform_indices = #map1}, {transform_indices = #map}]} {
    %mul3A = arith.constant 2 : i32
    %mul3A_0 = arith.muli %arg1, %mul3A : i32
    %add3A = arith.addi %mul3A_0, %arg0 : i32
    %mul3A_1 = arith.constant 6400 : i32
    %mul3A_2 = arith.muli %add3A, %mul3A_1 : i32
    %multiple_of3A = tpu.assume_multiple %mul3A_2, 128 : i32
    %eq3A = arith.constant 0 : i32
    %eq3A_3 = arith.cmpi eq, %arg1, %eq3A : i32
    %convert_element_type3A = arith.extui %eq3A_3 : i1 to i32
    %cond3A = arith.constant 0 : i32
    %cond3A_4 = arith.cmpi ne, %convert_element_type3A, %cond3A : i32
    scf.if %cond3A_4 {
      "tpu.region"() ({
        %run_scoped3A = tpu.sem_alloc : memref<!tpu.dma_semaphore, #tpu.memory_space<semaphore_mem>>
        tpu.enqueue_dma source(%arg2 : memref<1000x128xf32, #tpu.memory_space<hbm>>) target(%arg5 : memref<1000x128xf32, #tpu.memory_space<vmem_shared>>) target_semaphore(%run_scoped3A : memref<!tpu.dma_semaphore, #tpu.memory_space<semaphore_mem>>)
        tpu.wait_dma2 semaphore(%run_scoped3A : memref<!tpu.dma_semaphore, #tpu.memory_space<semaphore_mem>>) src(%arg2 : memref<1000x128xf32, #tpu.memory_space<hbm>>) dst(%arg5 : memref<1000x128xf32, #tpu.memory_space<vmem_shared>>)
        tpu.yield
      }) : () -> ()
    } else {
    }
    "tpu.region"() ({
      %run_scoped3A = tpu.sem_alloc : memref<!tpu.dma_semaphore, #tpu.memory_space<semaphore_mem>>
      %dma_start3A = arith.constant 0 : i32
      %dma_start3A_39 = arith.constant 0 : i32
      %dma_start3A_40 = tpu.memref_slice %arg3[%add3A, %dma_start3A, %dma_start3A_39] : memref<32x50x128xi32, #tpu.memory_space<hbm>> -> memref<1x50x128xi32, #tpu.memory_space<hbm>>
      %dma_start3A_41 = tpu.memref_squeeze %dma_start3A_40 : memref<1x50x128xi32, #tpu.memory_space<hbm>> -> memref<50x128xi32, #tpu.memory_space<hbm>>
      %dma_start3A_42 = arith.constant 0 : i32
      %dma_start3A_43 = arith.constant 0 : i32
      %dma_start3A_44 = tpu.memref_slice %arg3[%add3A, %dma_start3A_42, %dma_start3A_43] : memref<32x50x128xi32, #tpu.memory_space<hbm>> -> memref<1x50x128xi32, #tpu.memory_space<hbm>>
      %dma_start3A_45 = tpu.memref_squeeze %dma_start3A_44 : memref<1x50x128xi32, #tpu.memory_space<hbm>> -> memref<50x128xi32, #tpu.memory_space<hbm>>
      tpu.enqueue_dma source(%dma_start3A_45 : memref<50x128xi32, #tpu.memory_space<hbm>>) target(%arg6 : memref<50x128xi32, #tpu.memory_space<vmem>>) target_semaphore(%run_scoped3A : memref<!tpu.dma_semaphore, #tpu.memory_space<semaphore_mem>>)
      %dma_wait3A_46 = arith.constant 0 : i32
      %dma_wait3A_47 = arith.constant 0 : i32
      %dma_wait3A_48 = tpu.memref_slice %arg3[%add3A, %dma_wait3A_46, %dma_wait3A_47] : memref<32x50x128xi32, #tpu.memory_space<hbm>> -> memref<1x50x128xi32, #tpu.memory_space<hbm>>
      %dma_wait3A_49 = tpu.memref_squeeze %dma_wait3A_48 : memref<1x50x128xi32, #tpu.memory_space<hbm>> -> memref<50x128xi32, #tpu.memory_space<hbm>>
      %dma_wait3A_50 = arith.constant 0 : i32
      %dma_wait3A_51 = arith.constant 0 : i32
      %dma_wait3A_52 = tpu.memref_slice %arg3[%add3A, %dma_wait3A_50, %dma_wait3A_51] : memref<32x50x128xi32, #tpu.memory_space<hbm>> -> memref<1x50x128xi32, #tpu.memory_space<hbm>>
      %dma_wait3A_53 = tpu.memref_squeeze %dma_wait3A_52 : memref<1x50x128xi32, #tpu.memory_space<hbm>> -> memref<50x128xi32, #tpu.memory_space<hbm>>
      tpu.wait_dma2 semaphore(%run_scoped3A : memref<!tpu.dma_semaphore, #tpu.memory_space<semaphore_mem>>) src(%dma_wait3A_53 : memref<50x128xi32, #tpu.memory_space<hbm>>) dst(%arg6 : memref<50x128xi32, #tpu.memory_space<vmem>>)
      tpu.yield
    }) : () -> ()
    %barrier3A = arith.constant 0 : index
    tpu.barrier barrier_id(%barrier3A)
    %scan3A = arith.constant 0 : i32
    %scan3A_5 = arith.constant 0 : i32
    %scan3A_6 = arith.constant 12 : i32
    %scan3A_7 = arith.addi %scan3A_5, %scan3A_6 : i32
    %scan3A_8 = arith.constant 1 : i32
    scf.for %scan3A_39 = %scan3A_5 to %scan3A_7 step %scan3A_8  : i32 {
      %mul3A_40 = arith.constant 2 : i32
      %mul3A_41 = arith.muli %scan3A_39, %mul3A_40 : i32
      %add3A_42 = arith.constant 0 : i32
      %add3A_43 = arith.addi %mul3A_41, %add3A_42 : i32
      %gt3A = arith.constant 0 : i32
      %gt3A_44 = arith.cmpi sgt, %scan3A_39, %gt3A : i32
      %convert_element_type3A_45 = arith.extui %gt3A_44 : i1 to i32
      %cond3A_46 = arith.constant 0 : i32
      %cond3A_47 = arith.cmpi ne, %convert_element_type3A_45, %cond3A_46 : i32
      scf.if %cond3A_47 {
        %dma_wait3A_198 = arith.constant 0 : i32
        %dma_wait3A_199 = arith.constant 0 : i32
        %dma_wait3A_200 = arith.constant 0 : i32
        %dma_wait3A_201 = tpu.memref_slice %arg7[%dma_wait3A_198, %dma_wait3A_199, %dma_wait3A_200] : memref<2x256x128xf32, #tpu.memory_space<vmem>> -> memref<1x256x128xf32, #tpu.memory_space<vmem>>
        %dma_wait3A_202 = tpu.memref_squeeze %dma_wait3A_201 : memref<1x256x128xf32, #tpu.memory_space<vmem>> -> memref<256x128xf32, #tpu.memory_space<vmem>>
        %dma_wait3A_203 = arith.constant 0 : i32
        %dma_wait3A_204 = arith.constant 0 : i32
        %dma_wait3A_205 = tpu.memref_slice %arg4[%dma_wait3A_203, %dma_wait3A_204] : memref<204800x128xf32, #tpu.memory_space<hbm>> -> memref<256x128xf32, #tpu.memory_space<hbm>>
        %dma_wait3A_206 = arith.constant 0 : i32
        %dma_wait3A_207 = arith.constant 0 : i32
        %dma_wait3A_208 = tpu.memref_slice %arg4[%dma_wait3A_206, %dma_wait3A_207] : memref<204800x128xf32, #tpu.memory_space<hbm>> -> memref<256x128xf32, #tpu.memory_space<hbm>>
        %dma_wait3A_209 = arith.constant 0 : i32
        %dma_wait3A_210 = arith.constant 0 : i32
        %dma_wait3A_211 = tpu.memref_slice %arg7[%dma_wait3A_198, %dma_wait3A_209, %dma_wait3A_210] : memref<2x256x128xf32, #tpu.memory_space<vmem>> -> memref<1x256x128xf32, #tpu.memory_space<vmem>>
        %dma_wait3A_212 = tpu.memref_squeeze %dma_wait3A_211 : memref<1x256x128xf32, #tpu.memory_space<vmem>> -> memref<256x128xf32, #tpu.memory_space<vmem>>
        tpu.wait_dma2 semaphore(%arg10 : memref<!tpu.dma_semaphore, #tpu.memory_space<semaphore_mem>>) src(%dma_wait3A_212 : memref<256x128xf32, #tpu.memory_space<vmem>>) dst(%dma_wait3A_208 : memref<256x128xf32, #tpu.memory_space<hbm>>)
      } else {
      }
      %mul3A_48 = arith.constant 2 : i32
      %mul3A_49 = arith.muli %mul3A_48, %add3A_43 : i32
      %dma_start3A = arith.constant 0 : i32
      %dma_start3A_50 = arith.constant 0 : i32
      %dma_start3A_51 = arith.constant 0 : i32
      %dma_start3A_52 = tpu.memref_slice %arg7[%dma_start3A, %dma_start3A_50, %dma_start3A_51] : memref<2x256x128xf32, #tpu.memory_space<vmem>> -> memref<1x128x128xf32, #tpu.memory_space<vmem>>
      %dma_start3A_53 = tpu.memref_squeeze %dma_start3A_52 : memref<1x128x128xf32, #tpu.memory_space<vmem>> -> memref<128x128xf32, #tpu.memory_space<vmem>>
      %dma_start3A_54 = arith.constant 0 : i32
      %dma_start3A_55 = tpu.memref_slice %arg6[%mul3A_49, %dma_start3A_54] : memref<50x128xi32, #tpu.memory_space<vmem>> -> memref<1x128xi32, #tpu.memory_space<vmem>>
      %dma_start3A_56 = tpu.memref_squeeze %dma_start3A_55 : memref<1x128xi32, #tpu.memory_space<vmem>> -> memref<128xi32, #tpu.memory_space<vmem>>
      %dma_start3A_57 = arith.constant 0 : i32
      %dma_start3A_58 = arith.constant 0 : i32
      %dma_start3A_59 = tpu.memref_slice %arg5[%dma_start3A_57, %dma_start3A_58] : memref<1000x128xf32, #tpu.memory_space<vmem_shared>> -> memref<1000x128xf32, #tpu.memory_space<vmem_shared>>
      tpu.enqueue_indirect_dma source(%dma_start3A_59 : memref<1000x128xf32, #tpu.memory_space<vmem_shared>>) target(%dma_start3A_53 : memref<128x128xf32, #tpu.memory_space<vmem>>) offsets(%dma_start3A_56 : memref<128xi32, #tpu.memory_space<vmem>>) semaphore(%arg8 : memref<!tpu.dma_semaphore, #tpu.memory_space<semaphore_mem>>)
      %mul3A_60 = arith.constant 2 : i32
      %mul3A_61 = arith.muli %mul3A_60, %add3A_43 : i32
      %add3A_62 = arith.constant 1 : i32
      %add3A_63 = arith.addi %mul3A_61, %add3A_62 : i32
      %dma_start3A_64 = arith.constant 0 : i32
      %dma_start3A_65 = arith.constant 128 : i32
      %dma_start3A_66 = arith.constant 0 : i32
      %dma_start3A_67 = tpu.memref_slice %arg7[%dma_start3A_64, %dma_start3A_65, %dma_start3A_66] : memref<2x256x128xf32, #tpu.memory_space<vmem>> -> memref<1x128x128xf32, #tpu.memory_space<vmem>>
      %dma_start3A_68 = tpu.memref_squeeze %dma_start3A_67 : memref<1x128x128xf32, #tpu.memory_space<vmem>> -> memref<128x128xf32, #tpu.memory_space<vmem>>
      %dma_start3A_69 = arith.constant 0 : i32
      %dma_start3A_70 = tpu.memref_slice %arg6[%add3A_63, %dma_start3A_69] : memref<50x128xi32, #tpu.memory_space<vmem>> -> memref<1x128xi32, #tpu.memory_space<vmem>>
      %dma_start3A_71 = tpu.memref_squeeze %dma_start3A_70 : memref<1x128xi32, #tpu.memory_space<vmem>> -> memref<128xi32, #tpu.memory_space<vmem>>
      %dma_start3A_72 = arith.constant 0 : i32
      %dma_start3A_73 = arith.constant 0 : i32
      %dma_start3A_74 = tpu.memref_slice %arg5[%dma_start3A_72, %dma_start3A_73] : memref<1000x128xf32, #tpu.memory_space<vmem_shared>> -> memref<1000x128xf32, #tpu.memory_space<vmem_shared>>
      tpu.enqueue_indirect_dma source(%dma_start3A_74 : memref<1000x128xf32, #tpu.memory_space<vmem_shared>>) target(%dma_start3A_68 : memref<128x128xf32, #tpu.memory_space<vmem>>) offsets(%dma_start3A_71 : memref<128xi32, #tpu.memory_space<vmem>>) semaphore(%arg8 : memref<!tpu.dma_semaphore, #tpu.memory_space<semaphore_mem>>)
      %dma_wait3A_75 = arith.constant 0 : i32
      %dma_wait3A_76 = arith.constant 128 : i32
      %dma_wait3A_77 = arith.constant 0 : i32
      %dma_wait3A_78 = tpu.memref_slice %arg7[%dma_wait3A_75, %dma_wait3A_76, %dma_wait3A_77] : memref<2x256x128xf32, #tpu.memory_space<vmem>> -> memref<1x128x128xf32, #tpu.memory_space<vmem>>
      %dma_wait3A_79 = tpu.memref_squeeze %dma_wait3A_78 : memref<1x128x128xf32, #tpu.memory_space<vmem>> -> memref<128x128xf32, #tpu.memory_space<vmem>>
      %dma_wait3A_80 = arith.constant 0 : i32
      %dma_wait3A_81 = tpu.memref_slice %arg6[%add3A_63, %dma_wait3A_80] : memref<50x128xi32, #tpu.memory_space<vmem>> -> memref<1x128xi32, #tpu.memory_space<vmem>>
      %dma_wait3A_82 = tpu.memref_squeeze %dma_wait3A_81 : memref<1x128xi32, #tpu.memory_space<vmem>> -> memref<128xi32, #tpu.memory_space<vmem>>
      %dma_wait3A_83 = arith.constant 0 : i32
      %dma_wait3A_84 = arith.constant 0 : i32
      %dma_wait3A_85 = tpu.memref_slice %arg5[%dma_wait3A_83, %dma_wait3A_84] : memref<1000x128xf32, #tpu.memory_space<vmem_shared>> -> memref<1000x128xf32, #tpu.memory_space<vmem_shared>>
      tpu.wait_indirect_dma semaphore(%arg8 : memref<!tpu.dma_semaphore, #tpu.memory_space<semaphore_mem>>) src(%dma_wait3A_85 : memref<1000x128xf32, #tpu.memory_space<vmem_shared>>) dst(%dma_wait3A_79 : memref<128x128xf32, #tpu.memory_space<vmem>>)
      %mul3A_86 = arith.constant 2 : i32
      %mul3A_87 = arith.muli %mul3A_86, %add3A_43 : i32
      %dma_wait3A_88 = arith.constant 0 : i32
      %dma_wait3A_89 = arith.constant 0 : i32
      %dma_wait3A_90 = arith.constant 0 : i32
      %dma_wait3A_91 = tpu.memref_slice %arg7[%dma_wait3A_88, %dma_wait3A_89, %dma_wait3A_90] : memref<2x256x128xf32, #tpu.memory_space<vmem>> -> memref<1x128x128xf32, #tpu.memory_space<vmem>>
      %dma_wait3A_92 = tpu.memref_squeeze %dma_wait3A_91 : memref<1x128x128xf32, #tpu.memory_space<vmem>> -> memref<128x128xf32, #tpu.memory_space<vmem>>
      %dma_wait3A_93 = arith.constant 0 : i32
      %dma_wait3A_94 = tpu.memref_slice %arg6[%mul3A_87, %dma_wait3A_93] : memref<50x128xi32, #tpu.memory_space<vmem>> -> memref<1x128xi32, #tpu.memory_space<vmem>>
      %dma_wait3A_95 = tpu.memref_squeeze %dma_wait3A_94 : memref<1x128xi32, #tpu.memory_space<vmem>> -> memref<128xi32, #tpu.memory_space<vmem>>
      %dma_wait3A_96 = arith.constant 0 : i32
      %dma_wait3A_97 = arith.constant 0 : i32
      %dma_wait3A_98 = tpu.memref_slice %arg5[%dma_wait3A_96, %dma_wait3A_97] : memref<1000x128xf32, #tpu.memory_space<vmem_shared>> -> memref<1000x128xf32, #tpu.memory_space<vmem_shared>>
      tpu.wait_indirect_dma semaphore(%arg8 : memref<!tpu.dma_semaphore, #tpu.memory_space<semaphore_mem>>) src(%dma_wait3A_98 : memref<1000x128xf32, #tpu.memory_space<vmem_shared>>) dst(%dma_wait3A_92 : memref<128x128xf32, #tpu.memory_space<vmem>>)
      %mul3A_99 = arith.constant 2 : i32
      %mul3A_100 = arith.muli %mul3A_99, %add3A_43 : i32
      %mul3A_101 = arith.constant 128 : i32
      %mul3A_102 = arith.muli %mul3A_100, %mul3A_101 : i32
      %add3A_103 = arith.addi %multiple_of3A, %mul3A_102 : i32
      %multiple_of3A_104 = tpu.assume_multiple %add3A_103, 128 : i32
      %dma_start3A_105 = arith.constant 0 : i32
      %dma_start3A_106 = arith.constant 0 : i32
      %dma_start3A_107 = arith.constant 0 : i32
      %dma_start3A_108 = tpu.memref_slice %arg7[%dma_start3A_105, %dma_start3A_106, %dma_start3A_107] : memref<2x256x128xf32, #tpu.memory_space<vmem>> -> memref<1x256x128xf32, #tpu.memory_space<vmem>>
      %dma_start3A_109 = tpu.memref_squeeze %dma_start3A_108 : memref<1x256x128xf32, #tpu.memory_space<vmem>> -> memref<256x128xf32, #tpu.memory_space<vmem>>
      %dma_start3A_110 = arith.constant 0 : i32
      %dma_start3A_111 = tpu.memref_slice %arg4[%multiple_of3A_104, %dma_start3A_110] : memref<204800x128xf32, #tpu.memory_space<hbm>> -> memref<256x128xf32, #tpu.memory_space<hbm>>
      %dma_start3A_112 = arith.constant 0 : i32
      %dma_start3A_113 = tpu.memref_slice %arg4[%multiple_of3A_104, %dma_start3A_112] : memref<204800x128xf32, #tpu.memory_space<hbm>> -> memref<256x128xf32, #tpu.memory_space<hbm>>
      %dma_start3A_114 = arith.constant 0 : i32
      %dma_start3A_115 = arith.constant 0 : i32
      %dma_start3A_116 = tpu.memref_slice %arg7[%dma_start3A_105, %dma_start3A_114, %dma_start3A_115] : memref<2x256x128xf32, #tpu.memory_space<vmem>> -> memref<1x256x128xf32, #tpu.memory_space<vmem>>
      %dma_start3A_117 = tpu.memref_squeeze %dma_start3A_116 : memref<1x256x128xf32, #tpu.memory_space<vmem>> -> memref<256x128xf32, #tpu.memory_space<vmem>>
      tpu.enqueue_dma source(%dma_start3A_117 : memref<256x128xf32, #tpu.memory_space<vmem>>) target(%dma_start3A_113 : memref<256x128xf32, #tpu.memory_space<hbm>>) target_semaphore(%arg10 : memref<!tpu.dma_semaphore, #tpu.memory_space<semaphore_mem>>)
      %mul3A_118 = arith.constant 2 : i32
      %mul3A_119 = arith.muli %scan3A_39, %mul3A_118 : i32
      %add3A_120 = arith.constant 1 : i32
      %add3A_121 = arith.addi %mul3A_119, %add3A_120 : i32
      %gt3A_122 = arith.constant 0 : i32
      %gt3A_123 = arith.cmpi sgt, %scan3A_39, %gt3A_122 : i32
      %convert_element_type3A_124 = arith.extui %gt3A_123 : i1 to i32
      %cond3A_125 = arith.constant 0 : i32
      %cond3A_126 = arith.cmpi ne, %convert_element_type3A_124, %cond3A_125 : i32
      scf.if %cond3A_126 {
        %dma_wait3A_198 = arith.constant 1 : i32
        %dma_wait3A_199 = arith.constant 0 : i32
        %dma_wait3A_200 = arith.constant 0 : i32
        %dma_wait3A_201 = tpu.memref_slice %arg7[%dma_wait3A_198, %dma_wait3A_199, %dma_wait3A_200] : memref<2x256x128xf32, #tpu.memory_space<vmem>> -> memref<1x256x128xf32, #tpu.memory_space<vmem>>
        %dma_wait3A_202 = tpu.memref_squeeze %dma_wait3A_201 : memref<1x256x128xf32, #tpu.memory_space<vmem>> -> memref<256x128xf32, #tpu.memory_space<vmem>>
        %dma_wait3A_203 = arith.constant 0 : i32
        %dma_wait3A_204 = arith.constant 0 : i32
        %dma_wait3A_205 = tpu.memref_slice %arg4[%dma_wait3A_203, %dma_wait3A_204] : memref<204800x128xf32, #tpu.memory_space<hbm>> -> memref<256x128xf32, #tpu.memory_space<hbm>>
        %dma_wait3A_206 = arith.constant 0 : i32
        %dma_wait3A_207 = arith.constant 0 : i32
        %dma_wait3A_208 = tpu.memref_slice %arg4[%dma_wait3A_206, %dma_wait3A_207] : memref<204800x128xf32, #tpu.memory_space<hbm>> -> memref<256x128xf32, #tpu.memory_space<hbm>>
        %dma_wait3A_209 = arith.constant 0 : i32
        %dma_wait3A_210 = arith.constant 0 : i32
        %dma_wait3A_211 = tpu.memref_slice %arg7[%dma_wait3A_198, %dma_wait3A_209, %dma_wait3A_210] : memref<2x256x128xf32, #tpu.memory_space<vmem>> -> memref<1x256x128xf32, #tpu.memory_space<vmem>>
        %dma_wait3A_212 = tpu.memref_squeeze %dma_wait3A_211 : memref<1x256x128xf32, #tpu.memory_space<vmem>> -> memref<256x128xf32, #tpu.memory_space<vmem>>
        tpu.wait_dma2 semaphore(%arg11 : memref<!tpu.dma_semaphore, #tpu.memory_space<semaphore_mem>>) src(%dma_wait3A_212 : memref<256x128xf32, #tpu.memory_space<vmem>>) dst(%dma_wait3A_208 : memref<256x128xf32, #tpu.memory_space<hbm>>)
      } else {
      }
      %mul3A_127 = arith.constant 2 : i32
      %mul3A_128 = arith.muli %mul3A_127, %add3A_121 : i32
      %dma_start3A_129 = arith.constant 1 : i32
      %dma_start3A_130 = arith.constant 0 : i32
      %dma_start3A_131 = arith.constant 0 : i32
      %dma_start3A_132 = tpu.memref_slice %arg7[%dma_start3A_129, %dma_start3A_130, %dma_start3A_131] : memref<2x256x128xf32, #tpu.memory_space<vmem>> -> memref<1x128x128xf32, #tpu.memory_space<vmem>>
      %dma_start3A_133 = tpu.memref_squeeze %dma_start3A_132 : memref<1x128x128xf32, #tpu.memory_space<vmem>> -> memref<128x128xf32, #tpu.memory_space<vmem>>
      %dma_start3A_134 = arith.constant 0 : i32
      %dma_start3A_135 = tpu.memref_slice %arg6[%mul3A_128, %dma_start3A_134] : memref<50x128xi32, #tpu.memory_space<vmem>> -> memref<1x128xi32, #tpu.memory_space<vmem>>
      %dma_start3A_136 = tpu.memref_squeeze %dma_start3A_135 : memref<1x128xi32, #tpu.memory_space<vmem>> -> memref<128xi32, #tpu.memory_space<vmem>>
      %dma_start3A_137 = arith.constant 0 : i32
      %dma_start3A_138 = arith.constant 0 : i32
      %dma_start3A_139 = tpu.memref_slice %arg5[%dma_start3A_137, %dma_start3A_138] : memref<1000x128xf32, #tpu.memory_space<vmem_shared>> -> memref<1000x128xf32, #tpu.memory_space<vmem_shared>>
      tpu.enqueue_indirect_dma source(%dma_start3A_139 : memref<1000x128xf32, #tpu.memory_space<vmem_shared>>) target(%dma_start3A_133 : memref<128x128xf32, #tpu.memory_space<vmem>>) offsets(%dma_start3A_136 : memref<128xi32, #tpu.memory_space<vmem>>) semaphore(%arg9 : memref<!tpu.dma_semaphore, #tpu.memory_space<semaphore_mem>>)
      %mul3A_140 = arith.constant 2 : i32
      %mul3A_141 = arith.muli %mul3A_140, %add3A_121 : i32
      %add3A_142 = arith.constant 1 : i32
      %add3A_143 = arith.addi %mul3A_141, %add3A_142 : i32
      %dma_start3A_144 = arith.constant 1 : i32
      %dma_start3A_145 = arith.constant 128 : i32
      %dma_start3A_146 = arith.constant 0 : i32
      %dma_start3A_147 = tpu.memref_slice %arg7[%dma_start3A_144, %dma_start3A_145, %dma_start3A_146] : memref<2x256x128xf32, #tpu.memory_space<vmem>> -> memref<1x128x128xf32, #tpu.memory_space<vmem>>
      %dma_start3A_148 = tpu.memref_squeeze %dma_start3A_147 : memref<1x128x128xf32, #tpu.memory_space<vmem>> -> memref<128x128xf32, #tpu.memory_space<vmem>>
      %dma_start3A_149 = arith.constant 0 : i32
      %dma_start3A_150 = tpu.memref_slice %arg6[%add3A_143, %dma_start3A_149] : memref<50x128xi32, #tpu.memory_space<vmem>> -> memref<1x128xi32, #tpu.memory_space<vmem>>
      %dma_start3A_151 = tpu.memref_squeeze %dma_start3A_150 : memref<1x128xi32, #tpu.memory_space<vmem>> -> memref<128xi32, #tpu.memory_space<vmem>>
      %dma_start3A_152 = arith.constant 0 : i32
      %dma_start3A_153 = arith.constant 0 : i32
      %dma_start3A_154 = tpu.memref_slice %arg5[%dma_start3A_152, %dma_start3A_153] : memref<1000x128xf32, #tpu.memory_space<vmem_shared>> -> memref<1000x128xf32, #tpu.memory_space<vmem_shared>>
      tpu.enqueue_indirect_dma source(%dma_start3A_154 : memref<1000x128xf32, #tpu.memory_space<vmem_shared>>) target(%dma_start3A_148 : memref<128x128xf32, #tpu.memory_space<vmem>>) offsets(%dma_start3A_151 : memref<128xi32, #tpu.memory_space<vmem>>) semaphore(%arg9 : memref<!tpu.dma_semaphore, #tpu.memory_space<semaphore_mem>>)
      %dma_wait3A_155 = arith.constant 1 : i32
      %dma_wait3A_156 = arith.constant 128 : i32
      %dma_wait3A_157 = arith.constant 0 : i32
      %dma_wait3A_158 = tpu.memref_slice %arg7[%dma_wait3A_155, %dma_wait3A_156, %dma_wait3A_157] : memref<2x256x128xf32, #tpu.memory_space<vmem>> -> memref<1x128x128xf32, #tpu.memory_space<vmem>>
      %dma_wait3A_159 = tpu.memref_squeeze %dma_wait3A_158 : memref<1x128x128xf32, #tpu.memory_space<vmem>> -> memref<128x128xf32, #tpu.memory_space<vmem>>
      %dma_wait3A_160 = arith.constant 0 : i32
      %dma_wait3A_161 = tpu.memref_slice %arg6[%add3A_143, %dma_wait3A_160] : memref<50x128xi32, #tpu.memory_space<vmem>> -> memref<1x128xi32, #tpu.memory_space<vmem>>
      %dma_wait3A_162 = tpu.memref_squeeze %dma_wait3A_161 : memref<1x128xi32, #tpu.memory_space<vmem>> -> memref<128xi32, #tpu.memory_space<vmem>>
      %dma_wait3A_163 = arith.constant 0 : i32
      %dma_wait3A_164 = arith.constant 0 : i32
      %dma_wait3A_165 = tpu.memref_slice %arg5[%dma_wait3A_163, %dma_wait3A_164] : memref<1000x128xf32, #tpu.memory_space<vmem_shared>> -> memref<1000x128xf32, #tpu.memory_space<vmem_shared>>
      tpu.wait_indirect_dma semaphore(%arg9 : memref<!tpu.dma_semaphore, #tpu.memory_space<semaphore_mem>>) src(%dma_wait3A_165 : memref<1000x128xf32, #tpu.memory_space<vmem_shared>>) dst(%dma_wait3A_159 : memref<128x128xf32, #tpu.memory_space<vmem>>)
      %mul3A_166 = arith.constant 2 : i32
      %mul3A_167 = arith.muli %mul3A_166, %add3A_121 : i32
      %dma_wait3A_168 = arith.constant 1 : i32
      %dma_wait3A_169 = arith.constant 0 : i32
      %dma_wait3A_170 = arith.constant 0 : i32
      %dma_wait3A_171 = tpu.memref_slice %arg7[%dma_wait3A_168, %dma_wait3A_169, %dma_wait3A_170] : memref<2x256x128xf32, #tpu.memory_space<vmem>> -> memref<1x128x128xf32, #tpu.memory_space<vmem>>
      %dma_wait3A_172 = tpu.memref_squeeze %dma_wait3A_171 : memref<1x128x128xf32, #tpu.memory_space<vmem>> -> memref<128x128xf32, #tpu.memory_space<vmem>>
      %dma_wait3A_173 = arith.constant 0 : i32
      %dma_wait3A_174 = tpu.memref_slice %arg6[%mul3A_167, %dma_wait3A_173] : memref<50x128xi32, #tpu.memory_space<vmem>> -> memref<1x128xi32, #tpu.memory_space<vmem>>
      %dma_wait3A_175 = tpu.memref_squeeze %dma_wait3A_174 : memref<1x128xi32, #tpu.memory_space<vmem>> -> memref<128xi32, #tpu.memory_space<vmem>>
      %dma_wait3A_176 = arith.constant 0 : i32
      %dma_wait3A_177 = arith.constant 0 : i32
      %dma_wait3A_178 = tpu.memref_slice %arg5[%dma_wait3A_176, %dma_wait3A_177] : memref<1000x128xf32, #tpu.memory_space<vmem_shared>> -> memref<1000x128xf32, #tpu.memory_space<vmem_shared>>
      tpu.wait_indirect_dma semaphore(%arg9 : memref<!tpu.dma_semaphore, #tpu.memory_space<semaphore_mem>>) src(%dma_wait3A_178 : memref<1000x128xf32, #tpu.memory_space<vmem_shared>>) dst(%dma_wait3A_172 : memref<128x128xf32, #tpu.memory_space<vmem>>)
      %mul3A_179 = arith.constant 2 : i32
      %mul3A_180 = arith.muli %mul3A_179, %add3A_121 : i32
      %mul3A_181 = arith.constant 128 : i32
      %mul3A_182 = arith.muli %mul3A_180, %mul3A_181 : i32
      %add3A_183 = arith.addi %multiple_of3A, %mul3A_182 : i32
      %multiple_of3A_184 = tpu.assume_multiple %add3A_183, 128 : i32
      %dma_start3A_185 = arith.constant 1 : i32
      %dma_start3A_186 = arith.constant 0 : i32
      %dma_start3A_187 = arith.constant 0 : i32
      %dma_start3A_188 = tpu.memref_slice %arg7[%dma_start3A_185, %dma_start3A_186, %dma_start3A_187] : memref<2x256x128xf32, #tpu.memory_space<vmem>> -> memref<1x256x128xf32, #tpu.memory_space<vmem>>
      %dma_start3A_189 = tpu.memref_squeeze %dma_start3A_188 : memref<1x256x128xf32, #tpu.memory_space<vmem>> -> memref<256x128xf32, #tpu.memory_space<vmem>>
      %dma_start3A_190 = arith.constant 0 : i32
      %dma_start3A_191 = tpu.memref_slice %arg4[%multiple_of3A_184, %dma_start3A_190] : memref<204800x128xf32, #tpu.memory_space<hbm>> -> memref<256x128xf32, #tpu.memory_space<hbm>>
      %dma_start3A_192 = arith.constant 0 : i32
      %dma_start3A_193 = tpu.memref_slice %arg4[%multiple_of3A_184, %dma_start3A_192] : memref<204800x128xf32, #tpu.memory_space<hbm>> -> memref<256x128xf32, #tpu.memory_space<hbm>>
      %dma_start3A_194 = arith.constant 0 : i32
      %dma_start3A_195 = arith.constant 0 : i32
      %dma_start3A_196 = tpu.memref_slice %arg7[%dma_start3A_185, %dma_start3A_194, %dma_start3A_195] : memref<2x256x128xf32, #tpu.memory_space<vmem>> -> memref<1x256x128xf32, #tpu.memory_space<vmem>>
      %dma_start3A_197 = tpu.memref_squeeze %dma_start3A_196 : memref<1x256x128xf32, #tpu.memory_space<vmem>> -> memref<256x128xf32, #tpu.memory_space<vmem>>
      tpu.enqueue_dma source(%dma_start3A_197 : memref<256x128xf32, #tpu.memory_space<vmem>>) target(%dma_start3A_193 : memref<256x128xf32, #tpu.memory_space<hbm>>) target_semaphore(%arg11 : memref<!tpu.dma_semaphore, #tpu.memory_space<semaphore_mem>>)
    }
    %scan3A_9 = arith.constant 12 : i32
    %dma_wait3A = arith.constant 0 : i32
    %dma_wait3A_10 = arith.constant 0 : i32
    %dma_wait3A_11 = arith.constant 0 : i32
    %dma_wait3A_12 = tpu.memref_slice %arg7[%dma_wait3A, %dma_wait3A_10, %dma_wait3A_11] : memref<2x256x128xf32, #tpu.memory_space<vmem>> -> memref<1x256x128xf32, #tpu.memory_space<vmem>>
    %dma_wait3A_13 = tpu.memref_squeeze %dma_wait3A_12 : memref<1x256x128xf32, #tpu.memory_space<vmem>> -> memref<256x128xf32, #tpu.memory_space<vmem>>
    %dma_wait3A_14 = arith.constant 0 : i32
    %dma_wait3A_15 = arith.constant 0 : i32
    %dma_wait3A_16 = tpu.memref_slice %arg4[%dma_wait3A_14, %dma_wait3A_15] : memref<204800x128xf32, #tpu.memory_space<hbm>> -> memref<256x128xf32, #tpu.memory_space<hbm>>
    %dma_wait3A_17 = arith.constant 0 : i32
    %dma_wait3A_18 = arith.constant 0 : i32
    %dma_wait3A_19 = tpu.memref_slice %arg4[%dma_wait3A_17, %dma_wait3A_18] : memref<204800x128xf32, #tpu.memory_space<hbm>> -> memref<256x128xf32, #tpu.memory_space<hbm>>
    %dma_wait3A_20 = arith.constant 0 : i32
    %dma_wait3A_21 = arith.constant 0 : i32
    %dma_wait3A_22 = tpu.memref_slice %arg7[%dma_wait3A, %dma_wait3A_20, %dma_wait3A_21] : memref<2x256x128xf32, #tpu.memory_space<vmem>> -> memref<1x256x128xf32, #tpu.memory_space<vmem>>
    %dma_wait3A_23 = tpu.memref_squeeze %dma_wait3A_22 : memref<1x256x128xf32, #tpu.memory_space<vmem>> -> memref<256x128xf32, #tpu.memory_space<vmem>>
    tpu.wait_dma2 semaphore(%arg10 : memref<!tpu.dma_semaphore, #tpu.memory_space<semaphore_mem>>) src(%dma_wait3A_23 : memref<256x128xf32, #tpu.memory_space<vmem>>) dst(%dma_wait3A_19 : memref<256x128xf32, #tpu.memory_space<hbm>>)
    %dma_wait3A_24 = arith.constant 1 : i32
    %dma_wait3A_25 = arith.constant 0 : i32
    %dma_wait3A_26 = arith.constant 0 : i32
    %dma_wait3A_27 = tpu.memref_slice %arg7[%dma_wait3A_24, %dma_wait3A_25, %dma_wait3A_26] : memref<2x256x128xf32, #tpu.memory_space<vmem>> -> memref<1x256x128xf32, #tpu.memory_space<vmem>>
    %dma_wait3A_28 = tpu.memref_squeeze %dma_wait3A_27 : memref<1x256x128xf32, #tpu.memory_space<vmem>> -> memref<256x128xf32, #tpu.memory_space<vmem>>
    %dma_wait3A_29 = arith.constant 0 : i32
    %dma_wait3A_30 = arith.constant 0 : i32
    %dma_wait3A_31 = tpu.memref_slice %arg4[%dma_wait3A_29, %dma_wait3A_30] : memref<204800x128xf32, #tpu.memory_space<hbm>> -> memref<256x128xf32, #tpu.memory_space<hbm>>
    %dma_wait3A_32 = arith.constant 0 : i32
    %dma_wait3A_33 = arith.constant 0 : i32
    %dma_wait3A_34 = tpu.memref_slice %arg4[%dma_wait3A_32, %dma_wait3A_33] : memref<204800x128xf32, #tpu.memory_space<hbm>> -> memref<256x128xf32, #tpu.memory_space<hbm>>
    %dma_wait3A_35 = arith.constant 0 : i32
    %dma_wait3A_36 = arith.constant 0 : i32
    %dma_wait3A_37 = tpu.memref_slice %arg7[%dma_wait3A_24, %dma_wait3A_35, %dma_wait3A_36] : memref<2x256x128xf32, #tpu.memory_space<vmem>> -> memref<1x256x128xf32, #tpu.memory_space<vmem>>
    %dma_wait3A_38 = tpu.memref_squeeze %dma_wait3A_37 : memref<1x256x128xf32, #tpu.memory_space<vmem>> -> memref<256x128xf32, #tpu.memory_space<vmem>>
    tpu.wait_dma2 semaphore(%arg11 : memref<!tpu.dma_semaphore, #tpu.memory_space<semaphore_mem>>) src(%dma_wait3A_38 : memref<256x128xf32, #tpu.memory_space<vmem>>) dst(%dma_wait3A_34 : memref<256x128xf32, #tpu.memory_space<hbm>>)
    return
  }
}

</mosaic_0001>

<sc_bundles>
// kernel: _lookup.3.cloned.1.call-start
scs
__scs_entry_jumppad:
0x0: {  	(pc) =	sbr.rel $0x88, $3  }
0x1: {  	(tag) =	ssettag $0x0;
	lr =	simm.s32 $0x1  }
0x2: {  	[smem:$0x3F9F] =	sst lr;
	_ =	strace $0xD0000000  }
0x3: {  	_ = 	snop  }
0x4: {  	_ = 	snop  }
0x5: {  	_ = 	snop  }
0x6: {  	_ = 	snop  }
0x7: {  	_ = 	snop  }
__scs_overlays_trampoline_lowered:
0x8: {  	[smem:$0x3FAE] =	sst s0  }
0x9: {  	[smem:$0x3FAF] =	sst s1  }
0xa: {  	[smem:$0x3FB0] =	sst s2  }
0xb: {  	[smem:$0x3FB1] =	sst s3  }
0xc: {  	[smem:$0x3FB2] =	sst s4  }
0xd: {  	[smem:$0x3FB3] =	sst s5  }
0xe: {  	[smem:$0x3FB4] =	sst s6  }
0xf: {  	[smem:$0x3FB5] =	sst s7  }
0x10: {  	[smem:$0x3FB6] =	sst s8  }
0x11: {  	[smem:$0x3FB7] =	sst s9;
	s0 =	simm.s32 @!p0 $0x0  }
0x12: {  	s1 =	sld [smem:$0x3F9D];
	s0 =	simm.s32 @p0 $0x1  }
0x13: {  	[smem:$0x3FB8] =	sst s0;
	s0 =	simm.s32 @!p1 $0x0  }
0x14: {  	s2 =	sld [smem:$0x3F9C];
	s0 =	simm.s32 @p1 $0x1  }
0x15: {  	[smem:$0x3FB9] =	sst s0;
	s0 =	simm.s32 @!p2 $0x0  }
0x16: {  	s3 =	sld [smem:$0x3FDB];
	s0 =	simm.s32 @p2 $0x1  }
0x17: {  	s4 =	simm.s32 $0x1BF5;
	[smem:$0x3FBB] =	sst s0  }
0x18: {  	s0 =	sld [smem:$0x3F9E];
	_ =	swait.ge [sflag:s4], $0x0  }
0x19: {  	s7 =	sld [smem:$0x3F9F]  }
0x1a: {  	s8 =	sadd.s32 $0xFFFFE003, lr  }
0x1b: {  	s9 =	sadd.s32 $0xFFFFFEF7, lr;
	s5 =	simm.s32 $0xFFFFFFFF;
	p2 =	slt.u32 s8, $0xFFFFF086  }
0x1c: {  	p1 =	slt.u32 s9, $0xF7A;
	s5 =	simm.s32 @!p2 $0x0  }
0x1d: {  	s5 =	simm.s32 @p1 $0x1;
	p0 =	seq.s32 s7, s2  }
0x1e: {  	s7 =	smul.u32 @!p0 $0xF7A, s2;
	p2 =	seq.s32 @!p0 s5, $0x0  }
0x1f: {  	s9 =	smul.u32 $0xF7A, s1;
	s8 =	simm.s32 @!p0 $0x1BF5;
	p2 =	por !p2, p0  }
0x20: {  	[sflag:s8] =	ssyncset.s32 @!p0 $0xFFFFF086;
	s6 =	sadd.s32 @!p0 s3, s7;
	s7 =	simm.s32 @!p0 $0x108  }
0x21: {  	s3 =	sadd.s32 s3, s9;
	s6 =	sadd.s32 @!p0 $0x88, s6;
	s7 =	simm.s32 @p2 $0x1082  }
0x22: {  	[simem:s7], [sflag:s8] =	dma.local @!p0 [hbm:s6], $0xF7A  }
0x23: {  	s9 =	sor.u32 $0xD0000000, s2;
	s6 =	simm.s32 $0x108;
	_ =	swait.ge @!p0 [sflag:s8], $0x0  }
0x24: {  	s3 =	sadd.s32 $0x88, s3;
	s6 =	simm.s32 @!p1 $0x1082;
	[sflag:s4] =	ssyncset.s32 $0xFFFFF086  }
0x25: {  	[simem:s6], [sflag:s4] =	dma.local [hbm:s3], $0xF7A  }
0x26: {  	[smem:$0x3F9F] =	sst s1;
	(tag) =	ssettag s2;
	_ =	strace s9  }
0x27: {  	s1 =	sld [smem:$0x3FAF]  }
0x28: {  	s2 =	sld [smem:$0x3FB0]  }
0x29: {  	s4 =	sld [smem:$0x3FB2]  }
0x2a: {  	p0 =	seq.s32 s5, $0x0;
	s5 =	sld [smem:$0x3FB3]  }
0x2b: {  	s6 =	sld [smem:$0x3FB4]  }
0x2c: {  	s7 =	sld [smem:$0x3FB5]  }
0x2d: {  	s3 =	simm.s32 $0x108;
	s8 =	sld [smem:$0x3FB6]  }
0x2e: {  	s3 =	simm.s32 @!p0 $0x1082;
	s9 =	sld [smem:$0x3FB7]  }
0x2f: {  	lr =	sadd.s32 s0, s3;
	s0 =	sld [smem:$0x3FAE]  }
0x30: {  	s3 =	sld [smem:$0x3FB1]  }
0x31: {  	[smem:$0x3FBA] =	sst s10  }
0x32: {  	s10 =	sld [smem:$0x3FB8];
	_ =	sdelay $0x3  }
0x33: {  	p0 =	seq.s32 s10, $0x1;
	s10 =	sld [smem:$0x3FBA];
	_ =	sdelay $0x3  }
0x34: {  	[smem:$0x3FBA] =	sst s10  }
0x35: {  	s10 =	sld [smem:$0x3FB9];
	_ =	sdelay $0x3  }
0x36: {  	p1 =	seq.s32 s10, $0x1;
	s10 =	sld [smem:$0x3FBA];
	_ =	sdelay $0x3  }
0x37: {  	[smem:$0x3FBA] =	sst s10  }
0x38: {  	s10 =	sld [smem:$0x3FBB]  }
0x39: {  	_ = 	snop;
	(pc) =	sbr.ind lr, $3  }
0x3a: {  	_ = 	snop  }
0x3b: {  	_ = 	snop  }
0x3c: {  	p2 =	seq.s32 s10, $0x1;
	s10 =	sld [smem:$0x3FBA]  }
0x3d: {  	_ =	shalt  }
0x3e: {  	_ =	shalt  }
0x3f: {  	_ =	shalt  }
0x40: {  	_ =	shalt  }
0x41: {  	_ =	shalt  }
0x42: {  	_ =	shalt  }
0x43: {  	_ =	shalt  }
0x44: {  	_ =	shalt  }
0x45: {  	_ =	shalt  }
0x46: {  	_ =	shalt  }
0x47: {  	_ =	shalt  }
0x48: {  	_ =	shalt  }
0x49: {  	_ =	shalt  }
0x4a: {  	_ =	shalt  }
0x4b: {  	_ =	shalt  }
0x4c: {  	_ =	shalt  }
0x4d: {  	_ =	shalt  }
0x4e: {  	_ =	shalt  }
0x4f: {  	_ =	shalt  }
0x50: {  	_ =	shalt  }
0x51: {  	_ =	shalt  }
0x52: {  	_ =	shalt  }
0x53: {  	_ =	shalt  }
0x54: {  	_ =	shalt  }
0x55: {  	_ =	shalt  }
0x56: {  	_ =	shalt  }
0x57: {  	_ =	shalt  }
0x58: {  	_ =	shalt  }
0x59: {  	_ =	shalt  }
0x5a: {  	_ =	shalt  }
0x5b: {  	_ =	shalt  }
0x5c: {  	_ =	shalt  }
0x5d: {  	_ =	shalt  }
0x5e: {  	_ =	shalt  }
0x5f: {  	_ =	shalt  }
0x60: {  	_ =	shalt  }
0x61: {  	_ =	shalt  }
0x62: {  	_ =	shalt  }
0x63: {  	_ =	shalt  }
0x64: {  	_ =	shalt  }
0x65: {  	_ =	shalt  }
0x66: {  	_ =	shalt  }
0x67: {  	_ =	shalt  }
0x68: {  	_ =	shalt  }
0x69: {  	_ =	shalt  }
0x6a: {  	_ =	shalt  }
0x6b: {  	_ =	shalt  }
0x6c: {  	_ =	shalt  }
0x6d: {  	_ =	shalt  }
0x6e: {  	_ =	shalt  }
0x6f: {  	_ =	shalt  }
0x70: {  	_ =	shalt  }
0x71: {  	_ =	shalt  }
0x72: {  	_ =	shalt  }
0x73: {  	_ =	shalt  }
0x74: {  	_ =	shalt  }
0x75: {  	_ =	shalt  }
0x76: {  	_ =	shalt  }
0x77: {  	_ =	shalt  }
0x78: {  	_ =	shalt  }
0x79: {  	_ =	shalt  }
0x7a: {  	_ =	shalt  }
0x7b: {  	_ =	shalt  }
0x7c: {  	_ =	shalt  }
0x7d: {  	_ =	shalt  }
0x7e: {  	_ =	shalt  }
0x7f: {  	_ =	shalt  }
0x80: {  	_ =	shalt  }
0x81: {  	_ =	shalt  }
0x82: {  	_ =	shalt  }
0x83: {  	_ =	shalt  }
0x84: {  	_ =	shalt  }
0x85: {  	_ =	shalt  }
0x86: {  	_ =	shalt  }
0x87: {  	_ =	shalt  }
.Lfunc_end0:
.L_simem_size_0:
called_computation_lowered:
.L_overlay_start_0:
0x88: {  	s2 =	sld [smem:$0x3FD9]  }
0x89: {  	s3 =	sld [smem:$0x3FFE];
	_ =	sdelay $0x1  }
0x8a: {  	s1 =	srdreg.scid  }
0x8b: {  	s0 =	sand.u32 $0x1, s1  }
0x8c: {  	s17 =	sshll.u32 s0, $0xA;
	s2 =	sadd.s32 s3, s2  }
0x8d: {  	s2 =	sadd.s32 s2, s17  }
0x8e: {  	[smem:$0x3FC6] =	sst s2  }
0x8f: {  	_ = 	snop  }
0x90: {  	s2 =	sld [smem:$0x3FC9]  }
0x91: {  	s18 =	sld [smem:$0x3FD0];
	(tm) =	ssettm $0x1  }
0x92: {  	s4 =	sld [smem:$0x3FFB];
	_ =	sdelay $0x3  }
0x93: {  	_ =	strace s4  }
0x94: {  	s4 =	sld [smem:$0x3FFC];
	_ =	sdelay $0x3  }
0x95: {  	_ =	strace s4  }
0x96: {  	s4 =	sld [smem:$0x3FFD];
	_ =	sdelay $0x3  }
0x97: {  	_ =	strace s4  }
0x98: {  	_ =	strace $0x8FFFFFFF  }
0x99: {  	s19 =	sld [smem:$0x3FDB];
	_ =	sdelay $0x1  }
0x9a: {  	s5 =	simm.s32 $_scs_section_size  }
0x9b: {  	s6 =	simm.s32 $_size__tile_overlayer_lowered;
	s7 =	simm.s32 $_tile_overlayer_lowered  }
0x9c: {  	s22 =	simm.s32 $0x1BFF;
	s21 =	sshll.u32 s7, $0x1;
	s4 =	sadd.s32 s5, s19  }
0x9d: {  	s8 =	simm.s32 $0x0;
	s20 =	sshll.u32 s6, $0x1;
	s6 =	sadd.s32 s21, s4  }
0x9e: {  	[timem:s8], [sflag:s22] =	dma.local [hbm:s6], s20  }
0x9f: {  	_ =	swait.ge [sflag:s22], s20  }
0xa0: {  	s5 =	ssub.s32 $0x0, s20;
	[sflag:s22] =	ssyncset.done $0x0  }
0xa1: {  	[sflag:s22] =	ssyncadd.s32 s5;
	_ =	sdelay $0x1  }
0xa2: {  	s23 =	simm.s32 $0x1B8B  }
0xa3: {  	_ =	swait.ge [sflag:s23], $0x1  }
0xa4: {  	[sflag:s23] =	ssyncset.done $0x0  }
0xa5: {  	s25 =	simm.s32 $0x1B8E;
	s24 =	sld [smem:$0x3FFE];
	[sflag:s23] =	ssyncadd.s32 $0xFFFFFFFF  }
0xa6: {  	s26 =	simm.s32 $execute0_lowered;
	[smem:$0x3FD2] =	sst s25  }
0xa7: {  	s6 =	sshll.u32 s26, $0x1;
	_ =	strace $0x80000046;
	[dreg:$0x1] =	wrdreg $0xFFFFFFFF  }
0xa8: {  	s28 =	simm.s32 $_size_execute0_lowered;
	s4 =	sadd.s32 s4, s6;
	[dreg:$0x0] =	wrdreg $0x0  }
0xa9: {  	s6 =	sshll.u32 s28, $0x1;
	[dreg:$0x2] =	wrdreg s4  }
0xaa: {  	[dreg:$0x3] =	wrdreg s6  }
0xab: {  	[dreg:$0x4] =	wrdreg $0xC0  }
0xac: {  	_ =	task [dreg:s8], $0x5FFFF  }
0xad: {  	[dreg:$0x1] =	wrdreg $0xFFFFFFFF  }
0xae: {  	[dreg:$0x0] =	wrdreg $0x60  }
0xaf: {  	[dreg:$0x2] =	wrdreg s2  }
0xb0: {  	[dreg:$0x3] =	wrdreg s24  }
0xb1: {  	[dreg:$0x4] =	wrdreg s18  }
0xb2: {  	[dreg:$0x5] =	wrdreg $0x0  }
0xb3: {  	[dreg:$0x6] =	wrdreg $0x9  }
0xb4: {  	_ =	task.clear_ibuf [dreg:s8], $0x7FFFF;
	_ =	strace $0x90000046  }
0xb5: {  	s29 =	simm.s32 $0x9;
	_ =	strace $0x80000048  }
0xb6: {  	_ =	swait.ge [sflag:s29], $0x1  }
0xb7: {  	[sflag:s29] =	ssyncadd.s32 $0xFFFFFFFF  }
0xb8: {  	_ =	strace $0x90000048  }
0xb9: {  	_ =	sfence  }
0xba: {  	s30 =	sld [smem:$0x0];
	_ =	sdelay $0x2  }
0xbb: {  	s31 =	sshll.u32 s1, $0xD;
	s1 =	sshrl.u32 s1, $0x2  }
0xbc: {  	s3 =	sand.u32 $0x4000, s31;
	s1 =	sadd.s32 s1, s30  }
0xbd: {  	s0 =	sor.u32 s3, s0;
	s1 =	sshll.u32 s1, $0x11  }
0xbe: {  	s0 =	sor.u32 s1, s0  }
0xbf: {  	s0 =	sadd.s32 $0x8F2B, s0  }
0xc0: {  	[sflag:s0] =	ssyncadd.remote.s32 $0x1  }
0xc1: {  	_ =	sfence.sel $0xFFFF  }
0xc2: {  	[dreg:$0x0] =	wrdreg $0xFFFFFFFF;
	(pc) =	sbr.abs _section_cstart, $3  }
0xc3: {  	[dreg:$0x1] =	wrdreg $0xFFFFFFFF  }
0xc4: {  	_ =	task.clear_ibuf [dreg:s8], $0x2FFFF;
	_ =	strace $0x9FFFFFFF  }
0xc5: {  	(tm) =	ssettm $0x7FFFFFFF  }
tec
execute0_lowered:
.L_overlay_start_1:
0x0: {  	(tag) =	ssettag $0x1  }
0x1: {  	s1 =	srdreg.scid;
	s5 =	rddreg [dreg:$0x1]  }
0x2: {  	s9 =	stileid.u32;
	s2 =	rddreg [dreg:$0x2]  }
0x3: {  	s3 =	rddreg [dreg:$0x3];
	s13 =	simm.s32 $0x5;
	s14 =	simm.s32 $0x80  }
0x4: {  	s15 =	simm.s32 $0x3B40;
	s16 =	simm.s32 $0x1FC0;
	s17 =	simm.s32 $0x7B40  }
0x5: {  	s18 =	simm.s32 $0x1;
	s19 =	simm.s32 $0x2040;
	s20 =	simm.s32 $0xBB40  }
0x6: {  	s21 =	simm.s32 $0x20C0;
	s22 =	simm.s32 $0xFB40;
	s23 =	simm.s32 $0x2  }
0x7: {  	s6 =	sand.u32 $0x1, s1;
	s29 =	sshll.u32 s9, $0x1;
	s11 =	smul.u32 $0x190000, s9  }
0x8: {  	s4 =	sor.u32 s6, s29;
	s10 =	ssub.s32 $0x2, s6;
	s6 =	smul.u32 $0xC8000, s6  }
0x9: {  	s24 =	simm.s32 $0x3;
	s25 =	simm.s32 $0x4;
	s7 =	smul.u32 $0x380, s4  }
0xa: {  	s26 =	simm.s32 $0x0;
	s8 =	smul.u32 $0xC8000, s4;
	s4 =	simm.s32 $0x0  }
0xb: {  	p0 =	sne.s32 s9, $0x0;
	s12 =	sshrl.u32 s10, $0x1;
	[smem:$0x7FF] =	sst s4  }
0xc: {  	s30 =	ssub.s32 s10, s12;
	s31 =	sadd.s32 s6, s11;
	s12 =	simm.s32 $0x1F40  }
0xd: {  	_ =	strace $0x80000047;
	s5 =	sadd.s32 s7, s5;
	s8 =	sshrl.u32 s8, $0x3  }
0xe: {  	s6 =	smax.u32 s30, $0x1;
	s11 =	sadd.s32 $0x18000, s31;
	s9 =	sadd.s32 $0x10000, s31  }
0xf: {  	s5 =	sadd.s32 $0x400, s5;
	s7 =	sadd.s32 s2, s8;
	s11 =	sshrl.u32 s11, $0x3  }
0x10: {  	s8 =	sadd.s32 $0x1000, s7;
	s10 =	sadd.s32 s11, s2;
	s11 =	sshrl.u32 @!p0 s3, $0x3  }
.LBB2_1:
0x11: {  	s28 =	simm.s32 @!p0 $0x1C05;
	s0 =	rddreg [dreg:$0x0]  }
0x12: {  	[spmem:s11], [sflag:s28] =	dma.local @!p0 [hbm:s0], $0x3E80  }
0x13: {  	s28 =	simm.s32 @!p0 $0x5  }
0x14: {  	_ =	swait.ge @!p0 [sflag:s28], $0x3E80  }
0x15: {  	[sflag:s28] =	ssyncset.done @!p0 $0x0  }
0x16: {  	[sflag:s28] =	ssyncadd.s32 @!p0 $0xFFFFC180  }
0x17: {  	[tilespmem:s12], [sflag:$0x5] =	stream.linear.gather [hbm4b:s5+s4], $0x1900, $0x38;
	[tilespmem:$0x13B40] =	vst v63  }
0x18: {  	_ =	swait.ge [sflag:s13], $0x1900  }
0x19: {  	[sflag:s13] =	ssyncset.done $0x0  }
0x1a: {  	[sflag:s13] =	ssyncadd.s32 $0xFFFFE700  }
0x1b: {  	[bflag:$0x0] =	sbarrier.arrive $0xFFFF  }
0x1c: {  	[tilespmem:s15], [sflag:$0x1] =	stream.indirect.gather [spmem:s3], $0x80, s12, s14, $0xb8;
	[tilespmem:$0x13B40] =	vst v63  }
0x1d: {  	_ = 	snop  }
0x1e: {  	[tilespmem:s17], [sflag:$0x1] =	stream.indirect.gather [spmem:s3], $0x80, s16, s14, $0xb8;
	[tilespmem:$0x13B40] =	vst v63  }
0x1f: {  	_ =	swait.ge [sflag:s18], $0x4000  }
0x20: {  	[sflag:s18] =	ssyncset.done $0x0  }
0x21: {  	[sflag:s18] =	ssyncadd.s32 $0xFFFFC000  }
0x22: {  	_ =	swait.ge [sflag:s18], $0x4000  }
0x23: {  	[sflag:s18] =	ssyncset.done $0x0  }
0x24: {  	[sflag:s18] =	ssyncadd.s32 $0xFFFFC000  }
0x25: {  	[hbm4b:s7+s4] =	stream.linear.scatter [tilespmem:s15], [sflag:$0x3], $0x8000, $0x38;
	[tilespmem:$0x13B40] =	vst v63  }
0x26: {  	_ = 	snop  }
0x27: {  	[tilespmem:s20], [sflag:$0x2] =	stream.indirect.gather [spmem:s3], $0x80, s19, s14, $0xb8;
	[tilespmem:$0x13B40] =	vst v63  }
0x28: {  	_ = 	snop  }
0x29: {  	[tilespmem:s22], [sflag:$0x2] =	stream.indirect.gather [spmem:s3], $0x80, s21, s14, $0xb8;
	[tilespmem:$0x13B40] =	vst v63  }
0x2a: {  	_ =	swait.ge [sflag:s23], $0x4000  }
0x2b: {  	[sflag:s23] =	ssyncset.done $0x0  }
0x2c: {  	[sflag:s23] =	ssyncadd.s32 $0xFFFFC000  }
0x2d: {  	_ =	swait.ge [sflag:s23], $0x4000  }
0x2e: {  	[sflag:s23] =	ssyncset.done $0x0  }
0x2f: {  	[sflag:s23] =	ssyncadd.s32 $0xFFFFC000  }
0x30: {  	[hbm4b:s8+s4] =	stream.linear.scatter [tilespmem:s20], [sflag:$0x4], $0x8000, $0x38;
	[tilespmem:$0x13B40] =	vst v63  }
0x31: {  	_ =	swait.ge [sflag:s24], $0x8000  }
0x32: {  	[sflag:s24] =	ssyncset.done $0x0  }
0x33: {  	s28 =	simm.s32 $0x2140;
	[sflag:s24] =	ssyncadd.s32 $0xFFFF8000  }
0x34: {  	[tilespmem:s15], [sflag:$0x1] =	stream.indirect.gather [spmem:s3], $0x80, s28, s14, $0xb8;
	[tilespmem:$0x13B40] =	vst v63  }
0x35: {  	s28 =	simm.s32 $0x21C0  }
0x36: {  	[tilespmem:s17], [sflag:$0x1] =	stream.indirect.gather [spmem:s3], $0x80, s28, s14, $0xb8;
	[tilespmem:$0x13B40] =	vst v63  }
0x37: {  	_ =	swait.ge [sflag:s18], $0x4000  }
0x38: {  	[sflag:s18] =	ssyncset.done $0x0  }
0x39: {  	[sflag:s18] =	ssyncadd.s32 $0xFFFFC000  }
0x3a: {  	_ =	swait.ge [sflag:s18], $0x4000  }
0x3b: {  	s28 =	sshrl.u32 s9, $0x3;
	[sflag:s18] =	ssyncset.done $0x0  }
0x3c: {  	s28 =	sadd.s32 s2, s28;
	[sflag:s18] =	ssyncadd.s32 $0xFFFFC000  }
0x3d: {  	[hbm4b:s28+s4] =	stream.linear.scatter [tilespmem:s15], [sflag:$0x3], $0x8000, $0x38;
	[tilespmem:$0x13B40] =	vst v63  }
0x3e: {  	_ =	swait.ge [sflag:s25], $0x8000  }
0x3f: {  	[sflag:s25] =	ssyncset.done $0x0  }
0x40: {  	s28 =	simm.s32 $0x2240;
	[sflag:s25] =	ssyncadd.s32 $0xFFFF8000  }
0x41: {  	[tilespmem:s20], [sflag:$0x2] =	stream.indirect.gather [spmem:s3], $0x80, s28, s14, $0xb8;
	[tilespmem:$0x13B40] =	vst v63  }
0x42: {  	s28 =	simm.s32 $0x22C0  }
0x43: {  	[tilespmem:s22], [sflag:$0x2] =	stream.indirect.gather [spmem:s3], $0x80, s28, s14, $0xb8;
	[tilespmem:$0x13B40] =	vst v63  }
0x44: {  	_ =	swait.ge [sflag:s23], $0x4000  }
0x45: {  	[sflag:s23] =	ssyncset.done $0x0  }
0x46: {  	[sflag:s23] =	ssyncadd.s32 $0xFFFFC000  }
0x47: {  	_ =	swait.ge [sflag:s23], $0x4000  }
0x48: {  	s29 =	sadd.s32 $0x10000, s9;
	s30 =	sadd.s32 $0x2000, s10;
	[sflag:s23] =	ssyncset.done $0x0  }
0x49: {  	s31 =	smov.u32 s10;
	s28 =	simm.s32 $0x800;
	[sflag:s23] =	ssyncadd.s32 $0xFFFFC000  }
.LBB2_2:
0x4a: {  	[hbm4b:s31+s4] =	stream.linear.scatter [tilespmem:s20], [sflag:$0x4], $0x8000, $0x38;
	[tilespmem:$0x13B40] =	vst v63  }
0x4b: {  	s1 =	smov.u32 s28;
	s31 =	smov.u32 s30  }
0x4c: {  	p1 =	sne.s32 s28, $0x5000;
	s28 =	sadd.s32 $0x800, s28;
	_ =	swait.ge [sflag:s24], $0x8000  }
0x4d: {  	s1 =	sshra.s32 s1, $0x2;
	[sflag:s24] =	ssyncset.done $0x0  }
0x4e: {  	s0 =	sadd.s32 $0x2140, s1;
	[sflag:s24] =	ssyncadd.s32 $0xFFFF8000  }
0x4f: {  	[tilespmem:s15], [sflag:$0x1] =	stream.indirect.gather [spmem:s3], $0x80, s0, s14, $0xb8;
	[tilespmem:$0x13B40] =	vst v63  }
0x50: {  	s0 =	sadd.s32 $0x21C0, s1  }
0x51: {  	[tilespmem:s17], [sflag:$0x1] =	stream.indirect.gather [spmem:s3], $0x80, s0, s14, $0xb8;
	[tilespmem:$0x13B40] =	vst v63  }
0x52: {  	_ =	swait.ge [sflag:s18], $0x4000  }
0x53: {  	[sflag:s18] =	ssyncset.done $0x0  }
0x54: {  	[sflag:s18] =	ssyncadd.s32 $0xFFFFC000  }
0x55: {  	_ =	swait.ge [sflag:s18], $0x4000  }
0x56: {  	s0 =	sshrl.u32 s29, $0x3;
	[sflag:s18] =	ssyncset.done $0x0  }
0x57: {  	s0 =	sadd.s32 s2, s0;
	[sflag:s18] =	ssyncadd.s32 $0xFFFFC000  }
0x58: {  	[hbm4b:s0+s4] =	stream.linear.scatter [tilespmem:s15], [sflag:$0x3], $0x8000, $0x38;
	[tilespmem:$0x13B40] =	vst v63  }
0x59: {  	_ =	swait.ge [sflag:s25], $0x8000  }
0x5a: {  	[sflag:s25] =	ssyncset.done $0x0  }
0x5b: {  	s0 =	sadd.s32 $0x2240, s1;
	[sflag:s25] =	ssyncadd.s32 $0xFFFF8000  }
0x5c: {  	[tilespmem:s20], [sflag:$0x2] =	stream.indirect.gather [spmem:s3], $0x80, s0, s14, $0xb8;
	[tilespmem:$0x13B40] =	vst v63  }
0x5d: {  	s0 =	sadd.s32 $0x22C0, s1  }
0x5e: {  	[tilespmem:s22], [sflag:$0x2] =	stream.indirect.gather [spmem:s3], $0x80, s0, s14, $0xb8;
	[tilespmem:$0x13B40] =	vst v63  }
0x5f: {  	_ =	swait.ge [sflag:s23], $0x4000  }
.Ltmp0:
0x60: {  	[sflag:s23] =	ssyncset.done $0x0;
	(pc) =	sbr.rel @p1 .LBB2_2-.Ltmp0, $4  }
0x61: {  	[sflag:s23] =	ssyncadd.s32 $0xFFFFC000  }
0x62: {  	_ =	swait.ge [sflag:s23], $0x4000  }
0x63: {  	[sflag:s23] =	ssyncset.done $0x0  }
0x64: {  	s30 =	sadd.s32 $0x2000, s30;
	s29 =	sadd.s32 $0x10000, s29;
	[sflag:s23] =	ssyncadd.s32 $0xFFFFC000  }
0x65: {  	[hbm4b:s31+s4] =	stream.linear.scatter [tilespmem:s20], [sflag:$0x4], $0x8000, $0x38;
	[tilespmem:$0x13B40] =	vst v63  }
0x66: {  	s26 =	sadd.s32 $0x1, s26  }
0x67: {  	_ =	swait.ge [sflag:s24], $0x8000;
	p1 =	sne.s32 s26, s6  }
.Ltmp1:
0x68: {  	[sflag:s24] =	ssyncset.done $0x0;
	(pc) =	sbr.rel @p1 .LBB2_1-.Ltmp1, $4  }
0x69: {  	[sflag:s24] =	ssyncadd.s32 $0xFFFF8000  }
0x6a: {  	_ =	swait.ge [sflag:s25], $0x8000  }
0x6b: {  	[sflag:s25] =	ssyncset.done $0x0  }
0x6c: {  	[sflag:s25] =	ssyncadd.s32 $0xFFFF8000  }
0x6d: {  	_ =	sfence.sel $0x180000  }
0x6e: {  	[bflag:$0x0] =	sbarrier.arrive $0xFFFF  }
0x6f: {  	_ =	strace $0x90000047  }
0x70: {  	[bflag:$0x2] =	sbarrier.arrive $0xFFFF  }
0x71: {  	s0 =	rddreg [dreg:$0x4]  }
0x72: {  	s0 =	sadd.s32 @!p0 $0x100000, s0  }
0x73: {  	[sflag:s0] =	ssyncadd.tile.s32 @!p0 $0x1;
	_ =	shalt  }
.Lfunc_end2:
_tile_overlayer_lowered:
.L_overlay_start_2:
0x74: {  	(tag) =	ssettag $0x2  }
0x75: {  	s0 =	rddreg [dreg:$0x0];
	s2 =	stileid.u32  }
0x76: {  	s1 =	rddreg [dreg:$0x1];
	p0 =	sne.s32 s2, $0x0  }
0x77: {  	s3 =	rddreg [dreg:$0x2];
	[bflag:$0x3] =	sbarrier.arrive $0xFFFF;
	s2 =	simm.s32 @!p0 $0x1C05  }
0x78: {  	[timem:s3], [sflag:s2] =	dma.local @!p0 [hbm:s0], s1  }
0x79: {  	s0 =	simm.s32 @!p0 $0x5  }
0x7a: {  	_ =	swait.ge @!p0 [sflag:s0], s1  }
0x7b: {  	s1 =	ssub.s32 @!p0 $0x0, s1;
	[sflag:s0] =	ssyncset.done @!p0 $0x0  }
0x7c: {  	[sflag:s0] =	ssyncadd.s32 @!p0 s1  }
0x7d: {  	[bflag:$0x3] =	sbarrier.arrive $0xFFFF  }
0x7e: {  	_ =	shalt  }

</sc_bundles>
